<compile_context>
chip_gen: v7x
topology: tpu7x:2x2x1
jax: 0.10.2.dev20260603
libtpu: 0.0.44.dev20260713+nightly
codegen_flags: <defaults>
</compile_context>

<pallas_src>
import functools

import jax
import jax.numpy as jnp
from jax import lax
from jax.experimental import pallas as pl
from jax.experimental.pallas import tpu as pltpu
from jax.experimental.pallas import tpu_sc as plsc

TILE = 1024
LANES = 16


def _presence_sc(B, S, ri):
    mesh = plsc.VectorSubcoreMesh(core_axis_name="c", subcore_axis_name="s")

    @functools.partial(
        pl.kernel,
        mesh=mesh,
        out_type=jax.ShapeDtypeStruct((B, LANES), jnp.float32),
        scratch_types=[
            pltpu.VMEM((S,), jnp.int32),
            pltpu.VMEM((LANES,), jnp.float32),
            pltpu.VMEM((LANES,), jnp.float32),
        ],
        compiler_params=pltpu.CompilerParams(needs_layout_passes=False),
    )
    def sc_kernel(ri_hbm, pres_hbm, idx_v, tab_v, un_v):
        wid = lax.axis_index("s") * 2 + lax.axis_index("c")

        @pl.when(wid < B)
        def _():
            pltpu.sync_copy(ri_hbm.at[wid], idx_v)
            ones = jnp.full((LANES,), 1.0, jnp.float32)
            tab_v[...] = jnp.zeros((LANES,), jnp.float32)

            def presence_step(k, carry):
                v = idx_v[pl.ds(k * LANES, LANES)]
                plsc.store_scatter(tab_v, [v + 1], ones)
                return carry

            lax.fori_loop(0, S // LANES, presence_step, 0)

            iv = lax.iota(jnp.int32, LANES)
            un_v[...] = plsc.load_gather(tab_v, [jnp.minimum(iv + 1, LANES - 1)])
            pltpu.sync_copy(un_v, pres_hbm.at[wid])

    return sc_kernel(ri)


def _matvec_body(w_ref, x_ref, t_ref):
    t_ref[0] = lax.dot_general(w_ref[0], x_ref[0], (((1,), (1,)), ((), ())),
                               preferred_element_type=jnp.float32)


def _outer_body(pres_ref, rw_ref, tall_ref, y_ref, teff_ref):
    E = tall_ref.shape[1]

    @pl.when(pl.program_id(1) == 0)
    def _():
        maskf = pres_ref[0][:, :E]
        teff_ref[...] = jnp.sum(tall_ref[0] * maskf.reshape(E, 1),
                                axis=0, keepdims=True)

    tile = pl.program_id(1)
    t = teff_ref[:, pl.ds(tile * TILE, TILE)]
    y_ref[0] = rw_ref[0, 0][:, None] * t


def kernel(x, routing_weights, routing_indices, weights):
    B, S, D = x.shape
    E = weights.shape[0]
    rw = routing_weights.reshape(B, 1, S)
    ri = routing_indices.reshape(B, S)
    wrows = jnp.transpose(weights[:, :B, :], (1, 0, 2))

    pres = _presence_sc(B, S, ri).reshape(B, 1, LANES)

    ntiles = S // TILE
    t_all = pl.pallas_call(
        _matvec_body,
        grid=(B, ntiles),
        in_specs=[
            pl.BlockSpec((1, E, D), lambda j, t: (j, 0, 0)),
            pl.BlockSpec((1, TILE, D), lambda j, t: (j, t, 0)),
        ],
        out_specs=pl.BlockSpec((1, E, TILE), lambda j, t: (j, 0, t)),
        out_shape=jax.ShapeDtypeStruct((B, E, S), jnp.float32),
    )(wrows, x)

    return pl.pallas_call(
        _outer_body,
        grid=(B, ntiles),
        in_specs=[
            pl.BlockSpec((1, 1, LANES), lambda j, t: (j, 0, 0)),
            pl.BlockSpec((1, 1, S), lambda j, t: (j, 0, 0)),
            pl.BlockSpec((1, E, S), lambda j, t: (j, 0, 0)),
        ],
        out_specs=pl.BlockSpec((1, S, TILE), lambda j, t: (j, 0, t)),
        out_shape=jax.ShapeDtypeStruct((B, S, S), x.dtype),
        scratch_shapes=[pltpu.VMEM((1, S), jnp.float32)],
    )(pres, rw, t_all)

# --- scband reference (transcript-rebuilt; emitter-appended) ---
"""Pipeline reference for scband-memory-mo-e-73967926772422 (READ-ONLY COPY).

The authoritative reference and input builder live on the scoring server;
editing this copy changes nothing except your own understanding.
"""

import jax, jax.numpy as jnp
import numpy as np

B = 4
S = 2048
DIM = 2048
NUM_EXPERTS = 8
# depth == 1 -> dims = (DIM, DIM): one weight matrix per expert


def setup_inputs(seed: int = 0) -> dict:
    key = jax.random.key(seed)
    k1, k2, k3 = jax.random.split(key, 3)
    x = jax.random.normal(k1, (B, S, DIM), dtype=jnp.float32)
    routing_weights = jax.random.uniform(k2, (B, S, 1), dtype=jnp.float32)
    # all tokens routed to expert 0 (required for the module's broadcasting to be valid)
    routing_indices = jnp.zeros((B, S, 1), dtype=jnp.int32)
    # xavier-uniform init for each expert's single (DIM, DIM) weight
    bound = (6.0 / (DIM + DIM)) ** 0.5
    weights = jax.random.uniform(k3, (NUM_EXPERTS, DIM, DIM), minval=-bound, maxval=bound, dtype=jnp.float32)
    return {"x": x, "routing_weights": routing_weights, "routing_indices": routing_indices, "weights": weights}


def reference(x, routing_weights, routing_indices, weights):
    Bv, Sv, Dv = x.shape
    E = weights.shape[0]
    y = jnp.zeros_like(x)
    for j in range(Bv):
        counts = jnp.bincount(routing_indices[j].reshape(-1), length=E)
        for i in range(E):
            temp = x[j]
            # depth==1: single weight; module computes temp @ weight[j] (row j of the weight!)
            temp = temp @ weights[i][j]  # (S, DIM) @ (DIM,) -> (S,)
            # (S,) * (S, 1) -> (S, S); added to y[j] which is (S, DIM) with S == DIM
            updated = y[j] + temp * routing_weights[j]
            y = y.at[j].set(jnp.where(counts[i] > 0, updated, y[j]))
    return y.reshape(Bv, Sv, Dv)

if __name__ == "__main__":
    import jax
    _d = setup_inputs()
    print(jax.jit(kernel)(*tuple(_d.values())))

</pallas_src>

<mosaic_0001>
#map = affine_map<(d0, d1) -> (0, 0)>
module attributes {stable_mosaic.version = 14 : i64} {
  func.func @sc_kernel(%arg0: i32, %arg1: i32, %arg2: memref<4x2048xi32, #tpu.memory_space<hbm>>, %arg3: memref<4x16xf32, #tpu.memory_space<hbm>>, %arg4: memref<2048xi32, #tpu.memory_space<vmem>>, %arg5: memref<16xf32, #tpu.memory_space<vmem>>, %arg6: memref<16xf32, #tpu.memory_space<vmem>>) attributes {dimension_semantics = [#tpu.dimension_semantics<core_parallel>, #tpu.dimension_semantics<subcore_parallel>], iteration_bounds = array<i64: 2, 16>, scalar_prefetch = 0 : i64, scratch_operands = 3 : i64, tpu.core_type = #tpu.core_type<sc_vector_subcore>, window_params = [{transform_indices = #map}, {transform_indices = #map}]} {
    %mul3A = arith.constant 2 : i32
    %mul3A_0 = arith.muli %arg1, %mul3A : i32
    %add3A = arith.addi %mul3A_0, %arg0 : i32
    %lt3A = arith.constant 4 : i32
    %lt3A_1 = arith.cmpi slt, %add3A, %lt3A : i32
    %convert_element_type3A = arith.extui %lt3A_1 : i1 to i32
    %cond3A = arith.constant 0 : i32
    %cond3A_2 = arith.cmpi ne, %convert_element_type3A, %cond3A : i32
    scf.if %cond3A_2 {
      "tpu.region"() ({
        %run_scoped3A = tpu.sem_alloc : memref<!tpu.dma_semaphore, #tpu.memory_space<semaphore_mem>>
        %dma_start3A = arith.constant 0 : i32
        %dma_start3A_19 = tpu.memref_slice %arg2[%add3A, %dma_start3A] : memref<4x2048xi32, #tpu.memory_space<hbm>> -> memref<1x2048xi32, #tpu.memory_space<hbm>>
        %dma_start3A_20 = tpu.memref_squeeze %dma_start3A_19 : memref<1x2048xi32, #tpu.memory_space<hbm>> -> memref<2048xi32, #tpu.memory_space<hbm>>
        %dma_start3A_21 = arith.constant 0 : i32
        %dma_start3A_22 = tpu.memref_slice %arg2[%add3A, %dma_start3A_21] : memref<4x2048xi32, #tpu.memory_space<hbm>> -> memref<1x2048xi32, #tpu.memory_space<hbm>>
        %dma_start3A_23 = tpu.memref_squeeze %dma_start3A_22 : memref<1x2048xi32, #tpu.memory_space<hbm>> -> memref<2048xi32, #tpu.memory_space<hbm>>
        tpu.enqueue_dma source(%dma_start3A_23 : memref<2048xi32, #tpu.memory_space<hbm>>) target(%arg4 : memref<2048xi32, #tpu.memory_space<vmem>>) target_semaphore(%run_scoped3A : memref<!tpu.dma_semaphore, #tpu.memory_space<semaphore_mem>>)
        %dma_wait3A = arith.constant 0 : i32
        %dma_wait3A_24 = tpu.memref_slice %arg2[%add3A, %dma_wait3A] : memref<4x2048xi32, #tpu.memory_space<hbm>> -> memref<1x2048xi32, #tpu.memory_space<hbm>>
        %dma_wait3A_25 = tpu.memref_squeeze %dma_wait3A_24 : memref<1x2048xi32, #tpu.memory_space<hbm>> -> memref<2048xi32, #tpu.memory_space<hbm>>
        %dma_wait3A_26 = arith.constant 0 : i32
        %dma_wait3A_27 = tpu.memref_slice %arg2[%add3A, %dma_wait3A_26] : memref<4x2048xi32, #tpu.memory_space<hbm>> -> memref<1x2048xi32, #tpu.memory_space<hbm>>
        %dma_wait3A_28 = tpu.memref_squeeze %dma_wait3A_27 : memref<1x2048xi32, #tpu.memory_space<hbm>> -> memref<2048xi32, #tpu.memory_space<hbm>>
        tpu.wait_dma2 semaphore(%run_scoped3A : memref<!tpu.dma_semaphore, #tpu.memory_space<semaphore_mem>>) src(%dma_wait3A_28 : memref<2048xi32, #tpu.memory_space<hbm>>) dst(%arg4 : memref<2048xi32, #tpu.memory_space<vmem>>)
        tpu.yield
      }) : () -> ()
      %broadcast_in_dim3A = arith.constant 1.000000e+00 : f32
      %broadcast_in_dim3A_3 = vector.broadcast %broadcast_in_dim3A : f32 to vector<16xf32>
      %broadcast_in_dim3A_4 = arith.constant 0.000000e+00 : f32
      %broadcast_in_dim3A_5 = vector.broadcast %broadcast_in_dim3A_4 : f32 to vector<16xf32>
      %swap3A = arith.constant 0 : index
      %swap3A_6 = tpu.vector_load %arg5[%swap3A] {strides = array<i32>} : memref<16xf32, #tpu.memory_space<vmem>>, vector<16xf32>,
      tpu.vector_store %arg5[%swap3A], %broadcast_in_dim3A_5 {strides = array<i32>} : memref<16xf32, #tpu.memory_space<vmem>>, vector<16xf32>,
      %scan3A = arith.constant 0 : i32
      %scan3A_7 = arith.constant 0 : i32
      %scan3A_8 = arith.constant 128 : i32
      %scan3A_9 = arith.addi %scan3A_7, %scan3A_8 : i32
      %scan3A_10 = arith.constant 1 : i32
      scf.for %scan3A_19 = %scan3A_7 to %scan3A_9 step %scan3A_10  : i32 {
        %mul3A_20 = arith.constant 16 : i32
        %mul3A_21 = arith.muli %scan3A_19, %mul3A_20 : i32
        %get3A = arith.index_cast %mul3A_21 : i32 to index
        %get3A_22 = tpu.vector_load %arg4[%get3A] {strides = array<i32>} : memref<2048xi32, #tpu.memory_space<vmem>>, vector<16xi32>,
        %add3A_23 = arith.constant 1 : i32
        %add3A_24 = vector.broadcast %add3A_23 : i32 to vector<16xi32>
        %add3A_25 = arith.addi %get3A_22, %add3A_24 : vector<16xi32>
        tpu.vector_store_idx %arg5[%add3A_25], %broadcast_in_dim3A_3 : memref<16xf32, #tpu.memory_space<vmem>>[vector<16xi32>], vector<16xf32>,
      }
      %scan3A_11 = arith.constant 128 : i32
      %iota3A = tpu.iota {dimensions = array<i32: 0>} : vector<16xi32>
      %add3A_12 = arith.constant 1 : i32
      %add3A_13 = vector.broadcast %add3A_12 : i32 to vector<16xi32>
      %add3A_14 = arith.addi %iota3A, %add3A_13 : vector<16xi32>
      %min3A = arith.constant 15 : i32
      %min3A_15 = vector.broadcast %min3A : i32 to vector<16xi32>
      %min3A_16 = arith.minsi %add3A_14, %min3A_15 : vector<16xi32>
      %gather3A = tpu.vector_load_idx %arg5[%min3A_16] : memref<16xf32, #tpu.memory_space<vmem>>[vector<16xi32>], vector<16xf32>,
      %swap3A_17 = arith.constant 0 : index
      %swap3A_18 = tpu.vector_load %arg6[%swap3A_17] {strides = array<i32>} : memref<16xf32, #tpu.memory_space<vmem>>, vector<16xf32>,
      tpu.vector_store %arg6[%swap3A_17], %gather3A {strides = array<i32>} : memref<16xf32, #tpu.memory_space<vmem>>, vector<16xf32>,
      "tpu.region"() ({
        %run_scoped3A = tpu.sem_alloc : memref<!tpu.dma_semaphore, #tpu.memory_space<semaphore_mem>>
        %dma_start3A = arith.constant 0 : i32
        %dma_start3A_19 = tpu.memref_slice %arg3[%add3A, %dma_start3A] : memref<4x16xf32, #tpu.memory_space<hbm>> -> memref<1x16xf32, #tpu.memory_space<hbm>>
        %dma_start3A_20 = tpu.memref_squeeze %dma_start3A_19 : memref<1x16xf32, #tpu.memory_space<hbm>> -> memref<16xf32, #tpu.memory_space<hbm>>
        %dma_start3A_21 = arith.constant 0 : i32
        %dma_start3A_22 = tpu.memref_slice %arg3[%add3A, %dma_start3A_21] : memref<4x16xf32, #tpu.memory_space<hbm>> -> memref<1x16xf32, #tpu.memory_space<hbm>>
        %dma_start3A_23 = tpu.memref_squeeze %dma_start3A_22 : memref<1x16xf32, #tpu.memory_space<hbm>> -> memref<16xf32, #tpu.memory_space<hbm>>
        tpu.enqueue_dma source(%arg6 : memref<16xf32, #tpu.memory_space<vmem>>) target(%dma_start3A_23 : memref<16xf32, #tpu.memory_space<hbm>>) target_semaphore(%run_scoped3A : memref<!tpu.dma_semaphore, #tpu.memory_space<semaphore_mem>>)
        %dma_wait3A = arith.constant 0 : i32
        %dma_wait3A_24 = tpu.memref_slice %arg3[%add3A, %dma_wait3A] : memref<4x16xf32, #tpu.memory_space<hbm>> -> memref<1x16xf32, #tpu.memory_space<hbm>>
        %dma_wait3A_25 = tpu.memref_squeeze %dma_wait3A_24 : memref<1x16xf32, #tpu.memory_space<hbm>> -> memref<16xf32, #tpu.memory_space<hbm>>
        %dma_wait3A_26 = arith.constant 0 : i32
        %dma_wait3A_27 = tpu.memref_slice %arg3[%add3A, %dma_wait3A_26] : memref<4x16xf32, #tpu.memory_space<hbm>> -> memref<1x16xf32, #tpu.memory_space<hbm>>
        %dma_wait3A_28 = tpu.memref_squeeze %dma_wait3A_27 : memref<1x16xf32, #tpu.memory_space<hbm>> -> memref<16xf32, #tpu.memory_space<hbm>>
        tpu.wait_dma2 semaphore(%run_scoped3A : memref<!tpu.dma_semaphore, #tpu.memory_space<semaphore_mem>>) src(%arg6 : memref<16xf32, #tpu.memory_space<vmem>>) dst(%dma_wait3A_28 : memref<16xf32, #tpu.memory_space<hbm>>)
        tpu.yield
      }) : () -> ()
    } else {
    }
    return
  }
}

module attributes {stable_mosaic.version = 14 : i64} {
  func.func @_matvec_body(%arg0: i32, %arg1: i32, %arg2: memref<1x8x2048xf32, #tpu.memory_space<vmem>>, %arg3: memref<1x1024x2048xf32, #tpu.memory_space<vmem>>, %arg4: memref<1x8x1024xf32, #tpu.memory_space<vmem>>) attributes {dimension_semantics = [#tpu.dimension_semantics<arbitrary>, #tpu.dimension_semantics<arbitrary>], iteration_bounds = array<i64: 4, 2>, scalar_prefetch = 0 : i64, scratch_operands = 0 : i64, tpu.core_type = #tpu.core_type<tc>, window_params = [{transform_indices = @transform_0, window_bounds = array<i64: 1, 8, 2048>}, {transform_indices = @transform_1, window_bounds = array<i64: 1, 1024, 2048>}, {transform_indices = @transform_2, window_bounds = array<i64: 1, 8, 1024>}]} {
    %get3A = arith.constant 0 : index
    %get3A_0 = arith.constant 0 : index
    %get3A_1 = arith.constant 0 : index
    %get3A_2 = vector.load %arg2[%get3A, %get3A_0, %get3A_1] : memref<1x8x2048xf32, #tpu.memory_space<vmem>>, vector<1x8x2048xf32>
    %get3A_3 = vector.shape_cast %get3A_2 : vector<1x8x2048xf32> to vector<8x2048xf32>
    %get3A_4 = arith.constant 0 : index
    %get3A_5 = arith.constant 0 : index
    %get3A_6 = arith.constant 0 : index
    %get3A_7 = vector.load %arg3[%get3A_4, %get3A_5, %get3A_6] : memref<1x1024x2048xf32, #tpu.memory_space<vmem>>, vector<1x1024x2048xf32>
    %get3A_8 = vector.shape_cast %get3A_7 : vector<1x1024x2048xf32> to vector<1024x2048xf32>
    %dot_general3A = arith.constant dense<0.000000e+00> : vector<8x1024xf32>
    %dot_general3A_9 = tpu.matmul %get3A_3, %get3A_8, %dot_general3A {dimension_numbers = #tpu.dot_dimension_numbers<[1], [1], [0], [0], [0, 0, 1, 0], [], []>, transpose_lhs_hint = false} : vector<8x2048xf32>, vector<1024x2048xf32>, vector<8x1024xf32> -> vector<8x1024xf32>
    %swap3A = arith.constant 0 : index
    %swap3A_10 = arith.constant 0 : index
    %swap3A_11 = arith.constant 0 : index
    %swap3A_12 = vector.load %arg4[%swap3A, %swap3A_10, %swap3A_11] : memref<1x8x1024xf32, #tpu.memory_space<vmem>>, vector<1x8x1024xf32>
    %swap3A_13 = vector.shape_cast %swap3A_12 : vector<1x8x1024xf32> to vector<8x1024xf32>
    %swap3A_14 = vector.shape_cast %dot_general3A_9 : vector<8x1024xf32> to vector<1x8x1024xf32>
    tpu.vector_store %arg4[%swap3A, %swap3A_10, %swap3A_11], %swap3A_14 {strides = array<i32>} : memref<1x8x1024xf32, #tpu.memory_space<vmem>>, vector<1x8x1024xf32>,
    return
  }
  func.func @transform_0(%arg0: i32, %arg1: i32) -> (i32, i32, i32) {
    %c0_i32 = arith.constant 0 : i32
    %c0_i32_0 = arith.constant 0 : i32
    %c0_i32_1 = arith.constant 0 : i32
    return %arg0, %c0_i32, %c0_i32_0 : i32, i32, i32
  }
  func.func @transform_1(%arg0: i32, %arg1: i32) -> (i32, i32, i32) {
    %c0_i32 = arith.constant 0 : i32
    %c0_i32_0 = arith.constant 0 : i32
    return %arg0, %arg1, %c0_i32 : i32, i32, i32
  }
  func.func @transform_2(%arg0: i32, %arg1: i32) -> (i32, i32, i32) {
    %c0_i32 = arith.constant 0 : i32
    %c0_i32_0 = arith.constant 0 : i32
    return %arg0, %c0_i32, %arg1 : i32, i32, i32
  }
}

module attributes {stable_mosaic.version = 14 : i64} {
  func.func @_outer_body(%arg0: i32, %arg1: i32, %arg2: memref<1x1x16xf32, #tpu.memory_space<vmem>>, %arg3: memref<1x1x2048xf32, #tpu.memory_space<vmem>>, %arg4: memref<1x8x2048xf32, #tpu.memory_space<vmem>>, %arg5: memref<1x2048x1024xf32, #tpu.memory_space<vmem>>, %arg6: memref<1x2048xf32, #tpu.memory_space<vmem>>) attributes {dimension_semantics = [#tpu.dimension_semantics<arbitrary>, #tpu.dimension_semantics<arbitrary>], iteration_bounds = array<i64: 4, 2>, scalar_prefetch = 0 : i64, scratch_operands = 1 : i64, tpu.core_type = #tpu.core_type<tc>, window_params = [{transform_indices = @transform_0, window_bounds = array<i64: 1, 1, 16>}, {transform_indices = @transform_1, window_bounds = array<i64: 1, 1, 2048>}, {transform_indices = @transform_2, window_bounds = array<i64: 1, 8, 2048>}, {transform_indices = @transform_3, window_bounds = array<i64: 1, 2048, 1024>}]} {
    %eq3A = arith.constant 0 : i32
    %eq3A_0 = arith.cmpi eq, %arg1, %eq3A : i32
    %convert_element_type3A = arith.extui %eq3A_0 : i1 to i32
    %cond3A = arith.constant 0 : i32
    %cond3A_1 = arith.cmpi ne, %convert_element_type3A, %cond3A : i32
    scf.if %cond3A_1 {
      %get3A_18 = arith.constant 0 : index
      %get3A_19 = arith.constant 0 : index
      %get3A_20 = arith.constant 0 : index
      %get3A_21 = vector.load %arg2[%get3A_18, %get3A_19, %get3A_20] : memref<1x1x16xf32, #tpu.memory_space<vmem>>, vector<1x1x16xf32>
      %get3A_22 = vector.shape_cast %get3A_21 : vector<1x1x16xf32> to vector<1x16xf32>
      %slice3A = vector.extract_strided_slice %get3A_22 {offsets = [0, 0], sizes = [1, 8], strides = [1, 1]} : vector<1x16xf32> to vector<1x8xf32>
      %get3A_23 = arith.constant 0 : index
      %get3A_24 = arith.constant 0 : index
      %get3A_25 = arith.constant 0 : index
      %get3A_26 = vector.load %arg4[%get3A_23, %get3A_24, %get3A_25] : memref<1x8x2048xf32, #tpu.memory_space<vmem>>, vector<1x8x2048xf32>
      %get3A_27 = vector.shape_cast %get3A_26 : vector<1x8x2048xf32> to vector<8x2048xf32>
      %reshape3A = vector.shape_cast %slice3A : vector<1x8xf32> to vector<8x1xf32>
      %mul3A_28 = vector.broadcast %reshape3A : vector<8x1xf32> to vector<8x2048xf32>
      %mul3A_29 = arith.mulf %get3A_27, %mul3A_28 : vector<8x2048xf32>
      %reduce_sum3A = arith.constant dense<0.000000e+00> : vector<2048xf32>
      %reduce_sum3A_30 = vector.multi_reduction <add>, %mul3A_29, %reduce_sum3A [0] : vector<8x2048xf32> to vector<2048xf32>
      %broadcast_in_dim3A_31 = vector.shape_cast %reduce_sum3A_30 : vector<2048xf32> to vector<1x2048xf32>
      %swap3A_32 = arith.constant 0 : index
      %swap3A_33 = arith.constant 0 : index
      %swap3A_34 = vector.load %arg6[%swap3A_32, %swap3A_33] : memref<1x2048xf32, #tpu.memory_space<vmem>>, vector<1x2048xf32>
      tpu.vector_store %arg6[%swap3A_32, %swap3A_33], %broadcast_in_dim3A_31 {strides = array<i32>} : memref<1x2048xf32, #tpu.memory_space<vmem>>, vector<1x2048xf32>,
    } else {
    }
    %mul3A = arith.constant 1024 : i32
    %mul3A_2 = arith.muli %arg1, %mul3A : i32
    %get3A = arith.constant 0 : index
    %get3A_3 = arith.index_cast %mul3A_2 : i32 to index
    %get3A_4 = vector.load %arg6[%get3A, %get3A_3] : memref<1x2048xf32, #tpu.memory_space<vmem>>, vector<1x1024xf32>
    %get3A_5 = arith.constant 0 : index
    %get3A_6 = arith.constant 0 : index
    %get3A_7 = arith.constant 0 : index
    %get3A_8 = vector.load %arg3[%get3A_5, %get3A_6, %get3A_7] : memref<1x1x2048xf32, #tpu.memory_space<vmem>>, vector<1x1x2048xf32>
    %get3A_9 = vector.shape_cast %get3A_8 : vector<1x1x2048xf32> to vector<2048xf32>
    %broadcast_in_dim3A = vector.shape_cast %get3A_9 : vector<2048xf32> to vector<2048x1xf32>
    %mul3A_10 = vector.broadcast %broadcast_in_dim3A : vector<2048x1xf32> to vector<2048x1024xf32>
    %mul3A_11 = vector.broadcast %get3A_4 : vector<1x1024xf32> to vector<2048x1024xf32>
    %mul3A_12 = arith.mulf %mul3A_10, %mul3A_11 : vector<2048x1024xf32>
    %swap3A = arith.constant 0 : index
    %swap3A_13 = arith.constant 0 : index
    %swap3A_14 = arith.constant 0 : index
    %swap3A_15 = vector.load %arg5[%swap3A, %swap3A_13, %swap3A_14] : memref<1x2048x1024xf32, #tpu.memory_space<vmem>>, vector<1x2048x1024xf32>
    %swap3A_16 = vector.shape_cast %swap3A_15 : vector<1x2048x1024xf32> to vector<2048x1024xf32>
    %swap3A_17 = vector.shape_cast %mul3A_12 : vector<2048x1024xf32> to vector<1x2048x1024xf32>
    tpu.vector_store %arg5[%swap3A, %swap3A_13, %swap3A_14], %swap3A_17 {strides = array<i32>} : memref<1x2048x1024xf32, #tpu.memory_space<vmem>>, vector<1x2048x1024xf32>,
    return
  }
  func.func @transform_0(%arg0: i32, %arg1: i32) -> (i32, i32, i32) {
    %c0_i32 = arith.constant 0 : i32
    %c0_i32_0 = arith.constant 0 : i32
    %c0_i32_1 = arith.constant 0 : i32
    return %arg0, %c0_i32, %c0_i32_0 : i32, i32, i32
  }
  func.func @transform_1(%arg0: i32, %arg1: i32) -> (i32, i32, i32) {
    %c0_i32 = arith.constant 0 : i32
    %c0_i32_0 = arith.constant 0 : i32
    %c0_i32_1 = arith.constant 0 : i32
    return %arg0, %c0_i32, %c0_i32_0 : i32, i32, i32
  }
  func.func @transform_2(%arg0: i32, %arg1: i32) -> (i32, i32, i32) {
    %c0_i32 = arith.constant 0 : i32
    %c0_i32_0 = arith.constant 0 : i32
    %c0_i32_1 = arith.constant 0 : i32
    return %arg0, %c0_i32, %c0_i32_0 : i32, i32, i32
  }
  func.func @transform_3(%arg0: i32, %arg1: i32) -> (i32, i32, i32) {
    %c0_i32 = arith.constant 0 : i32
    %c0_i32_0 = arith.constant 0 : i32
    return %arg0, %c0_i32, %arg1 : i32, i32, i32
  }
}

</mosaic_0001>

<sc_bundles>
// kernel: kernel.5.cloned.1.call-start
scs
__scs_entry_jumppad:
0x0: {  	(pc) =	sbr.rel $0x88, $3  }
0x1: {  	(tag) =	ssettag $0x0;
	lr =	simm.s32 $0x1  }
0x2: {  	[smem:$0x3F9D] =	sst lr;
	_ =	strace $0xD0000000  }
0x3: {  	_ = 	snop  }
0x4: {  	_ = 	snop  }
0x5: {  	_ = 	snop  }
0x6: {  	_ = 	snop  }
0x7: {  	_ = 	snop  }
__scs_overlays_trampoline_lowered:
0x8: {  	[smem:$0x3FAC] =	sst s0  }
0x9: {  	[smem:$0x3FAD] =	sst s1  }
0xa: {  	[smem:$0x3FAE] =	sst s2  }
0xb: {  	[smem:$0x3FAF] =	sst s3  }
0xc: {  	[smem:$0x3FB0] =	sst s4  }
0xd: {  	[smem:$0x3FB1] =	sst s5  }
0xe: {  	[smem:$0x3FB2] =	sst s6  }
0xf: {  	[smem:$0x3FB3] =	sst s7  }
0x10: {  	[smem:$0x3FB4] =	sst s8  }
0x11: {  	[smem:$0x3FB5] =	sst s9;
	s0 =	simm.s32 @!p0 $0x0  }
0x12: {  	s1 =	sld [smem:$0x3F9B];
	s0 =	simm.s32 @p0 $0x1  }
0x13: {  	[smem:$0x3FB6] =	sst s0;
	s0 =	simm.s32 @!p1 $0x0  }
0x14: {  	s2 =	sld [smem:$0x3F9A];
	s0 =	simm.s32 @p1 $0x1  }
0x15: {  	[smem:$0x3FB7] =	sst s0;
	s0 =	simm.s32 @!p2 $0x0  }
0x16: {  	s3 =	sld [smem:$0x3FDB];
	s0 =	simm.s32 @p2 $0x1  }
0x17: {  	s4 =	simm.s32 $0x1BF5;
	[smem:$0x3FB9] =	sst s0  }
0x18: {  	s0 =	sld [smem:$0x3F9C];
	_ =	swait.ge [sflag:s4], $0x0  }
0x19: {  	s7 =	sld [smem:$0x3F9D]  }
0x1a: {  	s8 =	sadd.s32 $0xFFFFE003, lr  }
0x1b: {  	s9 =	sadd.s32 $0xFFFFFEF7, lr;
	s5 =	simm.s32 $0xFFFFFFFF;
	p2 =	slt.u32 s8, $0xFFFFF086  }
0x1c: {  	p1 =	slt.u32 s9, $0xF7A;
	s5 =	simm.s32 @!p2 $0x0  }
0x1d: {  	s5 =	simm.s32 @p1 $0x1;
	p0 =	seq.s32 s7, s2  }
0x1e: {  	s7 =	smul.u32 @!p0 $0xF7A, s2;
	p2 =	seq.s32 @!p0 s5, $0x0  }
0x1f: {  	s9 =	smul.u32 $0xF7A, s1;
	s8 =	simm.s32 @!p0 $0x1BF5;
	p2 =	por !p2, p0  }
0x20: {  	[sflag:s8] =	ssyncset.s32 @!p0 $0xFFFFF086;
	s6 =	sadd.s32 @!p0 s3, s7;
	s7 =	simm.s32 @!p0 $0x108  }
0x21: {  	s3 =	sadd.s32 s3, s9;
	s6 =	sadd.s32 @!p0 $0x88, s6;
	s7 =	simm.s32 @p2 $0x1082  }
0x22: {  	[simem:s7], [sflag:s8] =	dma.local @!p0 [hbm:s6], $0xF7A  }
0x23: {  	s9 =	sor.u32 $0xD0000000, s2;
	s6 =	simm.s32 $0x108;
	_ =	swait.ge @!p0 [sflag:s8], $0x0  }
0x24: {  	s3 =	sadd.s32 $0x88, s3;
	s6 =	simm.s32 @!p1 $0x1082;
	[sflag:s4] =	ssyncset.s32 $0xFFFFF086  }
0x25: {  	[simem:s6], [sflag:s4] =	dma.local [hbm:s3], $0xF7A  }
0x26: {  	[smem:$0x3F9D] =	sst s1;
	(tag) =	ssettag s2;
	_ =	strace s9  }
0x27: {  	s1 =	sld [smem:$0x3FAD]  }
0x28: {  	s2 =	sld [smem:$0x3FAE]  }
0x29: {  	s4 =	sld [smem:$0x3FB0]  }
0x2a: {  	p0 =	seq.s32 s5, $0x0;
	s5 =	sld [smem:$0x3FB1]  }
0x2b: {  	s6 =	sld [smem:$0x3FB2]  }
0x2c: {  	s7 =	sld [smem:$0x3FB3]  }
0x2d: {  	s3 =	simm.s32 $0x108;
	s8 =	sld [smem:$0x3FB4]  }
0x2e: {  	s3 =	simm.s32 @!p0 $0x1082;
	s9 =	sld [smem:$0x3FB5]  }
0x2f: {  	lr =	sadd.s32 s0, s3;
	s0 =	sld [smem:$0x3FAC]  }
0x30: {  	s3 =	sld [smem:$0x3FAF]  }
0x31: {  	[smem:$0x3FB8] =	sst s10  }
0x32: {  	s10 =	sld [smem:$0x3FB6];
	_ =	sdelay $0x3  }
0x33: {  	p0 =	seq.s32 s10, $0x1;
	s10 =	sld [smem:$0x3FB8];
	_ =	sdelay $0x3  }
0x34: {  	[smem:$0x3FB8] =	sst s10  }
0x35: {  	s10 =	sld [smem:$0x3FB7];
	_ =	sdelay $0x3  }
0x36: {  	p1 =	seq.s32 s10, $0x1;
	s10 =	sld [smem:$0x3FB8];
	_ =	sdelay $0x3  }
0x37: {  	[smem:$0x3FB8] =	sst s10  }
0x38: {  	s10 =	sld [smem:$0x3FB9]  }
0x39: {  	_ = 	snop;
	(pc) =	sbr.ind lr, $3  }
0x3a: {  	_ = 	snop  }
0x3b: {  	_ = 	snop  }
0x3c: {  	p2 =	seq.s32 s10, $0x1;
	s10 =	sld [smem:$0x3FB8]  }
0x3d: {  	_ =	shalt  }
0x3e: {  	_ =	shalt  }
0x3f: {  	_ =	shalt  }
0x40: {  	_ =	shalt  }
0x41: {  	_ =	shalt  }
0x42: {  	_ =	shalt  }
0x43: {  	_ =	shalt  }
0x44: {  	_ =	shalt  }
0x45: {  	_ =	shalt  }
0x46: {  	_ =	shalt  }
0x47: {  	_ =	shalt  }
0x48: {  	_ =	shalt  }
0x49: {  	_ =	shalt  }
0x4a: {  	_ =	shalt  }
0x4b: {  	_ =	shalt  }
0x4c: {  	_ =	shalt  }
0x4d: {  	_ =	shalt  }
0x4e: {  	_ =	shalt  }
0x4f: {  	_ =	shalt  }
0x50: {  	_ =	shalt  }
0x51: {  	_ =	shalt  }
0x52: {  	_ =	shalt  }
0x53: {  	_ =	shalt  }
0x54: {  	_ =	shalt  }
0x55: {  	_ =	shalt  }
0x56: {  	_ =	shalt  }
0x57: {  	_ =	shalt  }
0x58: {  	_ =	shalt  }
0x59: {  	_ =	shalt  }
0x5a: {  	_ =	shalt  }
0x5b: {  	_ =	shalt  }
0x5c: {  	_ =	shalt  }
0x5d: {  	_ =	shalt  }
0x5e: {  	_ =	shalt  }
0x5f: {  	_ =	shalt  }
0x60: {  	_ =	shalt  }
0x61: {  	_ =	shalt  }
0x62: {  	_ =	shalt  }
0x63: {  	_ =	shalt  }
0x64: {  	_ =	shalt  }
0x65: {  	_ =	shalt  }
0x66: {  	_ =	shalt  }
0x67: {  	_ =	shalt  }
0x68: {  	_ =	shalt  }
0x69: {  	_ =	shalt  }
0x6a: {  	_ =	shalt  }
0x6b: {  	_ =	shalt  }
0x6c: {  	_ =	shalt  }
0x6d: {  	_ =	shalt  }
0x6e: {  	_ =	shalt  }
0x6f: {  	_ =	shalt  }
0x70: {  	_ =	shalt  }
0x71: {  	_ =	shalt  }
0x72: {  	_ =	shalt  }
0x73: {  	_ =	shalt  }
0x74: {  	_ =	shalt  }
0x75: {  	_ =	shalt  }
0x76: {  	_ =	shalt  }
0x77: {  	_ =	shalt  }
0x78: {  	_ =	shalt  }
0x79: {  	_ =	shalt  }
0x7a: {  	_ =	shalt  }
0x7b: {  	_ =	shalt  }
0x7c: {  	_ =	shalt  }
0x7d: {  	_ =	shalt  }
0x7e: {  	_ =	shalt  }
0x7f: {  	_ =	shalt  }
0x80: {  	_ =	shalt  }
0x81: {  	_ =	shalt  }
0x82: {  	_ =	shalt  }
0x83: {  	_ =	shalt  }
0x84: {  	_ =	shalt  }
0x85: {  	_ =	shalt  }
0x86: {  	_ =	shalt  }
0x87: {  	_ =	shalt  }
.Lfunc_end0:
.L_simem_size_0:
called_computation_lowered:
.L_overlay_start_0:
0x88: {  	s2 =	sld [smem:$0x3FD9]  }
0x89: {  	s3 =	sld [smem:$0x3FFE];
	_ =	sdelay $0x1  }
0x8a: {  	s1 =	srdreg.scid  }
0x8b: {  	s0 =	sand.u32 $0x1, s1  }
0x8c: {  	s17 =	sshll.u32 s0, $0xA;
	s2 =	sadd.s32 s3, s2  }
0x8d: {  	s2 =	sadd.s32 s2, s17  }
0x8e: {  	[smem:$0x3FC4] =	sst s2  }
0x8f: {  	_ = 	snop  }
0x90: {  	s2 =	sld [smem:$0x3FD0];
	(tm) =	ssettm $0x1  }
0x91: {  	s18 =	sld [smem:$0x3FFB];
	_ =	sdelay $0x3  }
0x92: {  	_ =	strace s18  }
0x93: {  	s3 =	sld [smem:$0x3FFC];
	_ =	sdelay $0x3  }
0x94: {  	_ =	strace s3  }
0x95: {  	s3 =	sld [smem:$0x3FFD];
	_ =	sdelay $0x3  }
0x96: {  	_ =	strace s3  }
0x97: {  	_ =	strace $0x8FFFFFFF  }
0x98: {  	s19 =	sld [smem:$0x3FDB];
	_ =	sdelay $0x1  }
0x99: {  	s4 =	simm.s32 $_scs_section_size  }
0x9a: {  	s5 =	simm.s32 $_size__tile_overlayer_lowered;
	s6 =	simm.s32 $_tile_overlayer_lowered  }
0x9b: {  	s22 =	simm.s32 $0x1BFF;
	s21 =	sshll.u32 s6, $0x1;
	s3 =	sadd.s32 s4, s19  }
0x9c: {  	s7 =	simm.s32 $0x0;
	s20 =	sshll.u32 s5, $0x1;
	s5 =	sadd.s32 s21, s3  }
0x9d: {  	[timem:s7], [sflag:s22] =	dma.local [hbm:s5], s20  }
0x9e: {  	_ =	swait.ge [sflag:s22], s20  }
0x9f: {  	s4 =	ssub.s32 $0x0, s20;
	[sflag:s22] =	ssyncset.done $0x0  }
0xa0: {  	[sflag:s22] =	ssyncadd.s32 s4;
	_ =	sdelay $0x1  }
0xa1: {  	s23 =	simm.s32 $0x1B8B  }
0xa2: {  	_ =	swait.ge [sflag:s23], $0x1  }
0xa3: {  	[sflag:s23] =	ssyncset.done $0x0  }
0xa4: {  	s25 =	simm.s32 $0x1B8E;
	s24 =	sld [smem:$0x3FFE];
	[sflag:s23] =	ssyncadd.s32 $0xFFFFFFFF  }
0xa5: {  	s26 =	simm.s32 $execute0_lowered;
	[smem:$0x3FD2] =	sst s25  }
0xa6: {  	s5 =	sshll.u32 s26, $0x1;
	_ =	strace $0x80000046;
	[dreg:$0x1] =	wrdreg $0xFFFFFFFF  }
0xa7: {  	s28 =	simm.s32 $_size_execute0_lowered;
	s3 =	sadd.s32 s3, s5;
	[dreg:$0x0] =	wrdreg $0x0  }
0xa8: {  	s5 =	sshll.u32 s28, $0x1;
	[dreg:$0x2] =	wrdreg s3  }
0xa9: {  	[dreg:$0x3] =	wrdreg s5  }
0xaa: {  	[dreg:$0x4] =	wrdreg $0xC0  }
0xab: {  	_ =	task [dreg:s7], $0x5FFFF  }
0xac: {  	[dreg:$0x1] =	wrdreg $0xFFFFFFFF  }
0xad: {  	[dreg:$0x0] =	wrdreg $0x60  }
0xae: {  	[dreg:$0x2] =	wrdreg s2  }
0xaf: {  	[dreg:$0x3] =	wrdreg s24  }
0xb0: {  	[dreg:$0x4] =	wrdreg $0x9  }
0xb1: {  	_ =	task.clear_ibuf [dreg:s7], $0x5FFFF;
	_ =	strace $0x90000046  }
0xb2: {  	s29 =	simm.s32 $0x9;
	_ =	strace $0x80000048  }
0xb3: {  	_ =	swait.ge [sflag:s29], $0x1  }
0xb4: {  	[sflag:s29] =	ssyncadd.s32 $0xFFFFFFFF  }
0xb5: {  	_ =	strace $0x90000048  }
0xb6: {  	_ =	sfence  }
0xb7: {  	s30 =	sld [smem:$0x0];
	_ =	sdelay $0x2  }
0xb8: {  	s31 =	sshll.u32 s1, $0xD;
	s1 =	sshrl.u32 s1, $0x2  }
0xb9: {  	s3 =	sand.u32 $0x4000, s31;
	s1 =	sadd.s32 s1, s30  }
0xba: {  	s0 =	sor.u32 s3, s0;
	s1 =	sshll.u32 s1, $0x11  }
0xbb: {  	s0 =	sor.u32 s1, s0  }
0xbc: {  	s0 =	sadd.s32 $0x8F2B, s0  }
0xbd: {  	[sflag:s0] =	ssyncadd.remote.s32 $0x1  }
0xbe: {  	_ =	sfence.sel $0xFFFF  }
0xbf: {  	[dreg:$0x0] =	wrdreg $0xFFFFFFFF;
	(pc) =	sbr.abs _section_cstart, $3  }
0xc0: {  	[dreg:$0x1] =	wrdreg $0xFFFFFFFF  }
0xc1: {  	_ =	task.clear_ibuf [dreg:s7], $0x2FFFF;
	_ =	strace $0x9FFFFFFF  }
0xc2: {  	(tm) =	ssettm $0x7FFFFFFF  }
0xc3: {  	_ =	shalt  }
tec
execute0_lowered:
.L_overlay_start_1:
0x0: {  	(tag) =	ssettag $0x1  }
0x1: {  	s1 =	stileid.u32  }
0x2: {  	p0 =	sgt.u32 s1, $0x1  }
.Ltmp0:
0x3: {  	_ = 	snop;
	(pc) =	sbr.rel @p0 .LBB2_5-.Ltmp0, $4  }
0x4: {  	s4 =	rddreg [dreg:$0x0]  }
0x5: {  	s3 =	rddreg [dreg:$0x1];
	s2 =	simm.s32 $0x0  }
0x6: {  	[smem:$0x7FF] =	sst s2  }
0x7: {  	s0 =	rddreg [dreg:$0x2];
	_ =	strace $0x80000047  }
0x8: {  	v0 =	vimm.s32 $0xFFEDCBA9;
	v1 =	vimm.s32 $0x87654321  }
0x9: {  	v0 =	vunpack.c.l.s4.s8 v0;
	v1 =	vunpack.c.l.s4.s8 v1  }
0xa: {  	s5 =	srdreg.scid;
	s6 =	sshll.u32 s1, $0x5;
	s8 =	simm.s32 $0x1  }
0xb: {  	s9 =	simm.s32 $0x800;
	s10 =	simm.s32 $0x880;
	s5 =	sand.u32 $0x1, s5;
	v0 =	vunpack.c.0.s8.s32 v0;
	v1 =	vunpack.c.0.s8.s32 v1  }
0xc: {  	s11 =	simm.s32 $0x0;
	s7 =	sshll.u32 s5, $0x4;
	s5 =	ssub.s32 $0x2, s5  }
0xd: {  	s6 =	sor.u32 s7, s6;
	s31 =	sshrl.u32 s5, $0x1;
	s7 =	simm.s32 $0x200;
	v2 =	vcombine.low v1, v0  }
0xe: {  	s3 =	sadd.s32 s6, s3;
	s5 =	ssub.s32 s5, s31;
	s4 =	sadd.s32 s4, s6  }
0xf: {  	s6 =	simm.s32 $0x80;
	s3 =	sadd.s32 $0x800, s3;
	s5 =	smax.u32 s5, $0x1;
	v0 =	vimm.f32 $0.0e+00;
	v1 =	vimm.f32 $1.000000000e+00;
	v2 =	vand.u32 $0xF, v2  }
.LBB2_2:
0x10: {  	s12 =	simm.s32 $0x0  }
0x11: {  	[tilespmem:s12], [sflag:$0x1] =	stream.strided.gather [hbm4b:s4+s6], $0x800, s7, s6, $0x38;
	[tilespmem:$0x900] =	vst v63  }
0x12: {  	_ =	swait.ge [sflag:s8], $0x800  }
0x13: {  	[sflag:s8] =	ssyncset.done $0x0  }
0x14: {  	[sflag:s8] =	ssyncadd.s32 $0xFFFFF800  }
0x15: {  	s13 =	simm.s32 $0x0;
	s12 =	simm.s32 $0x40;
	[tilespmem:$0x800] =	vst v0  }
.LBB2_3:
0x16: {  	p0 =	sne.s32 s12, $0x1FC0;
	v3 =	vld [tilespmem:s13+$0x0];
	_ =	sdelay $0x4  }
0x17: {  	v3 =	vadd.s32 $0x1, v3  }
.Ltmp1:
0x18: {  	(pc) =	sbr.rel @p0 .LBB2_3-.Ltmp1, $2  }
0x19: {  	_ =	sdelay $0x2  }
0x1a: {  	s13 =	sshra.s32 s12, $0x2;
	s12 =	sadd.s32 $0x40, s12;
	[tilespmem:v3+s9+$0x0] =	vst.idx.msk $0xffff, v1  }
0x1b: {  	v3 =	vld [tilespmem:s13+$0x0];
	_ =	sdelay $0x4  }
0x1c: {  	v3 =	vadd.s32 $0x1, v3;
	_ =	sdelay $0x4  }
0x1d: {  	[tilespmem:v3+s9+$0x0] =	vst.idx.msk $0xffff, v1  }
0x1e: {  	v3 =	vld.idx.msk [tilespmem:v2+s9+$0x0], $0xffff;
	_ =	sdelay $0x2  }
0x1f: {  	s11 =	sadd.s32 $0x1, s11  }
0x20: {  	p0 =	sne.s32 s11, s5  }
.Ltmp2:
0x21: {  	[tilespmem:$0x880] =	vst v3;
	(pc) =	sbr.rel @p0 .LBB2_2-.Ltmp2, $4  }
0x22: {  	[hbm4b:s3+s2] =	stream.linear.scatter [tilespmem:s10], [sflag:$0x1], $0x80, $0x38;
	[tilespmem:$0x900] =	vst v63  }
0x23: {  	_ =	swait.ge [sflag:s8], $0x80  }
0x24: {  	[sflag:s8] =	ssyncset.done $0x0  }
0x25: {  	[sflag:s8] =	ssyncadd.s32 $0xFFFFFF80  }
.LBB2_5:
0x26: {  	_ =	sfence.sel $0x180000  }
0x27: {  	[bflag:$0x0] =	sbarrier.arrive $0xFFFF  }
0x28: {  	p0 =	sne.s32 s1, $0x0;
	_ =	strace $0x90000047  }
0x29: {  	s0 =	sadd.s32 @!p0 $0x100000, s0;
	[bflag:$0x2] =	sbarrier.arrive $0xFFFF  }
0x2a: {  	[sflag:s0] =	ssyncadd.tile.s32 @!p0 $0x1;
	_ =	shalt  }
.Lfunc_end2:
_tile_overlayer_lowered:
.L_overlay_start_2:
0x2b: {  	(tag) =	ssettag $0x2  }
0x2c: {  	s0 =	rddreg [dreg:$0x0];
	s2 =	stileid.u32  }
0x2d: {  	s1 =	rddreg [dreg:$0x1];
	p0 =	sne.s32 s2, $0x0  }
0x2e: {  	s3 =	rddreg [dreg:$0x2];
	[bflag:$0x3] =	sbarrier.arrive $0xFFFF;
	s2 =	simm.s32 @!p0 $0x1C01  }
0x2f: {  	[timem:s3], [sflag:s2] =	dma.local @!p0 [hbm:s0], s1  }
0x30: {  	s0 =	simm.s32 @!p0 $0x1  }
0x31: {  	_ =	swait.ge @!p0 [sflag:s0], s1  }
0x32: {  	s1 =	ssub.s32 @!p0 $0x0, s1;
	[sflag:s0] =	ssyncset.done @!p0 $0x0  }
0x33: {  	[sflag:s0] =	ssyncadd.s32 @!p0 s1  }
0x34: {  	[bflag:$0x3] =	sbarrier.arrive $0xFFFF  }
0x35: {  	_ =	shalt  }

</sc_bundles>
